<compile_context>
chip_gen: v7x
topology: tpu7x:2x2x1
jax: 0.10.2.dev20260603
libtpu: 0.0.44.dev20260713+nightly
codegen_flags: <defaults>
</compile_context>

<pallas_src>
import functools

import jax
import jax.numpy as jnp
from jax import lax
from jax.experimental import pallas as pl
from jax.experimental.pallas import tpu as pltpu
from jax.experimental.pallas import tpu_sc as plsc

N_NODES = 100000
N_EDGES = 6400000
N_NODES_PAD = 100096

_info = plsc.get_sparse_core_info()
NC = _info.num_cores
NS = _info.num_subcores
L = _info.num_lanes
NW = NC * NS
EPW = N_EDGES // NW
C = 800
NCHUNK = EPW // C
VPC = C // L


def _node_table_body(vm_ref, va_ref, out_ref):
    vm = vm_ref[...]
    va = va_ref[...]
    vr = vm * jnp.cos(va)
    vi = vm * jnp.sin(va)
    hi = lax.bitcast_convert_type(vr.astype(jnp.bfloat16), jnp.uint16).astype(jnp.uint32)
    lo = lax.bitcast_convert_type(vi.astype(jnp.bfloat16), jnp.uint16).astype(jnp.uint32)
    out_ref[...] = lax.bitcast_convert_type((hi << 16) | lo, jnp.int32)


_node_table_tc = pl.pallas_call(
    _node_table_body,
    out_shape=jax.ShapeDtypeStruct((N_NODES_PAD // 128, 128), jnp.int32),
)


def _unpack(w):
    r = plsc.bitcast(jnp.bitwise_and(w, jnp.int32(-65536)), jnp.float32)
    i = plsc.bitcast(jnp.left_shift(w, 16), jnp.float32)
    return r, i


@functools.partial(
    pl.kernel,
    out_type=(
        jax.ShapeDtypeStruct((N_EDGES,), jnp.float32),
        jax.ShapeDtypeStruct((N_EDGES,), jnp.float32),
    ),
    mesh=plsc.VectorSubcoreMesh(core_axis_name="c", subcore_axis_name="s"),
    compiler_params=pltpu.CompilerParams(needs_layout_passes=False),
    scratch_types=[
        pltpu.VMEM((N_NODES_PAD,), jnp.int32),
        pltpu.VMEM((C,), jnp.int32),
        pltpu.VMEM((C,), jnp.int32),
        pltpu.VMEM((4 * C,), jnp.float32),
        pltpu.VMEM((C,), jnp.float32),
        pltpu.VMEM((C,), jnp.float32),
    ],
)
def _flow_sc(table_hbm, ei_hbm, attr_hbm, pft_hbm, qft_hbm,
             table_v, fr_v, to_v, at_v, p_v, q_v):
    wid = lax.axis_index("s") * NC + lax.axis_index("c")
    pltpu.sync_copy(table_hbm, table_v)
    base = wid * EPW
    lanes = lax.iota(jnp.int32, L)
    lanes4 = lanes * 4

    @pl.loop(0, NCHUNK)
    def _chunk(ci):
        off = base + ci * C
        pltpu.sync_copy(ei_hbm.at[pl.ds(off, C)], fr_v)
        pltpu.sync_copy(ei_hbm.at[pl.ds(N_EDGES + off, C)], to_v)
        pltpu.sync_copy(attr_hbm.at[pl.ds(off * 4, 4 * C)], at_v)

        @pl.loop(0, VPC)
        def _vec(i):
            s = i * L
            fi = fr_v[pl.ds(s, L)]
            ti = to_v[pl.ds(s, L)]
            wf = plsc.load_gather(table_v, [fi])
            wt = plsc.load_gather(table_v, [ti])
            vf_r, vf_i = _unpack(wf)
            vt_r, vt_i = _unpack(wt)
            col = lanes4 + s * 4
            y0 = plsc.load_gather(at_v, [col])
            y1 = plsc.load_gather(at_v, [col + 1])
            y2 = plsc.load_gather(at_v, [col + 2])
            y3 = plsc.load_gather(at_v, [col + 3])
            ift_r = y0 * vf_r - y1 * vf_i + y2 * vt_r - y3 * vt_i
            ift_i = y0 * vf_i + y1 * vf_r + y2 * vt_i + y3 * vt_r
            p_v[pl.ds(s, L)] = vf_r * ift_r + vf_i * ift_i
            q_v[pl.ds(s, L)] = vf_i * ift_r - vf_r * ift_i

        pltpu.sync_copy(p_v, pft_hbm.at[pl.ds(off, C)])
        pltpu.sync_copy(q_v, qft_hbm.at[pl.ds(off, C)])


def kernel(bus_data, edge_index, edge_attr):
    pad = N_NODES_PAD - N_NODES
    vm = jnp.pad(bus_data[:, 0], (0, pad)).reshape(N_NODES_PAD // 128, 128)
    va = jnp.pad(bus_data[:, 1], (0, pad)).reshape(N_NODES_PAD // 128, 128)
    table = _node_table_tc(vm, va).reshape(-1)
    attr_flat = edge_attr.reshape(-1)
    pft, qft = _flow_sc(table, edge_index.reshape(-1), attr_flat)
    return (pft, qft)

# --- scband reference (transcript-rebuilt; emitter-appended) ---
"""Pipeline reference for scband-compute-branch-flow-33243046871573 (READ-ONLY COPY).

The authoritative reference and input builder live on the scoring server;
editing this copy changes nothing except your own understanding.
"""

import jax, jax.numpy as jnp
import numpy as np

# Column index constants (module relied on globals; standard pandapower-style layout)
VM_H, VA_H = 0, 1
YFF_TT_R, YFF_TT_I, YFT_TF_R, YFT_TF_I = 0, 1, 2, 3

N_NODES = 100000
N_EDGES = 6400000


def setup_inputs(seed: int = 0) -> dict:
    key = jax.random.key(seed)
    k1, k2, k3 = jax.random.split(key, 3)
    bus_data = jax.random.normal(k1, (N_NODES, 4), dtype=jnp.float32)
    edge_index = jax.random.randint(k2, (2, N_EDGES), 0, N_NODES, dtype=jnp.int32)
    edge_attr = jax.random.normal(k3, (N_EDGES, 4), dtype=jnp.float32)
    return {"bus_data": bus_data, "edge_index": edge_index, "edge_attr": edge_attr}


def reference(bus_data, edge_index, edge_attr):
    from_idx = edge_index[0]
    to_idx = edge_index[1]
    # Gathers (SparseCore-friendly: jnp.take / fancy indexing)
    Vf_mag = bus_data[from_idx, VM_H]
    Vf_ang = bus_data[from_idx, VA_H]
    Vt_mag = bus_data[to_idx, VM_H]
    Vt_ang = bus_data[to_idx, VA_H]
    Vf_r = Vf_mag * jnp.cos(Vf_ang)
    Vf_i = Vf_mag * jnp.sin(Vf_ang)
    Vt_r = Vt_mag * jnp.cos(Vt_ang)
    Vt_i = Vt_mag * jnp.sin(Vt_ang)
    Yfftt_r = edge_attr[:, YFF_TT_R]
    Yfftt_i = edge_attr[:, YFF_TT_I]
    Yfttf_r = edge_attr[:, YFT_TF_R]
    Yfttf_i = edge_attr[:, YFT_TF_I]
    Ift_r = Yfftt_r * Vf_r - Yfftt_i * Vf_i + Yfttf_r * Vt_r - Yfttf_i * Vt_i
    Ift_i = Yfftt_r * Vf_i + Yfftt_i * Vf_r + Yfttf_r * Vt_i + Yfttf_i * Vt_r
    Pft = Vf_r * Ift_r + Vf_i * Ift_i
    Qft = Vf_i * Ift_r - Vf_r * Ift_i
    return (Pft, Qft)

if __name__ == "__main__":
    import jax
    _d = setup_inputs()
    print(jax.jit(kernel)(*tuple(_d.values())))

</pallas_src>

<mosaic_0001>
#map = affine_map<(d0, d1) -> (0)>
module attributes {stable_mosaic.version = 14 : i64} {
  func.func @_flow_sc(%arg0: i32, %arg1: i32, %arg2: memref<100096xi32, #tpu.memory_space<hbm>>, %arg3: memref<12800000xi32, #tpu.memory_space<hbm>>, %arg4: memref<25600000xf32, #tpu.memory_space<hbm>>, %arg5: memref<6400000xf32, #tpu.memory_space<hbm>>, %arg6: memref<6400000xf32, #tpu.memory_space<hbm>>, %arg7: memref<100096xi32, #tpu.memory_space<vmem>>, %arg8: memref<800xi32, #tpu.memory_space<vmem>>, %arg9: memref<800xi32, #tpu.memory_space<vmem>>, %arg10: memref<3200xf32, #tpu.memory_space<vmem>>, %arg11: memref<800xf32, #tpu.memory_space<vmem>>, %arg12: memref<800xf32, #tpu.memory_space<vmem>>) attributes {dimension_semantics = [#tpu.dimension_semantics<core_parallel>, #tpu.dimension_semantics<subcore_parallel>], iteration_bounds = array<i64: 2, 16>, scalar_prefetch = 0 : i64, scratch_operands = 6 : i64, tpu.core_type = #tpu.core_type<sc_vector_subcore>, window_params = [{transform_indices = #map}, {transform_indices = #map}, {transform_indices = #map}, {transform_indices = #map}, {transform_indices = #map}]} {
    %mul3A = arith.constant 2 : i32
    %mul3A_0 = arith.muli %arg1, %mul3A : i32
    %add3A = arith.addi %mul3A_0, %arg0 : i32
    "tpu.region"() ({
      %run_scoped3A = tpu.sem_alloc : memref<!tpu.dma_semaphore, #tpu.memory_space<semaphore_mem>>
      tpu.enqueue_dma source(%arg2 : memref<100096xi32, #tpu.memory_space<hbm>>) target(%arg7 : memref<100096xi32, #tpu.memory_space<vmem>>) target_semaphore(%run_scoped3A : memref<!tpu.dma_semaphore, #tpu.memory_space<semaphore_mem>>)
      tpu.wait_dma2 semaphore(%run_scoped3A : memref<!tpu.dma_semaphore, #tpu.memory_space<semaphore_mem>>) src(%arg2 : memref<100096xi32, #tpu.memory_space<hbm>>) dst(%arg7 : memref<100096xi32, #tpu.memory_space<vmem>>)
      tpu.yield
    }) : () -> ()
    %mul3A_1 = arith.constant 200000 : i32
    %mul3A_2 = arith.muli %add3A, %mul3A_1 : i32
    %iota3A = tpu.iota {dimensions = array<i32: 0>} : vector<16xi32>
    %mul3A_3 = arith.constant 4 : i32
    %mul3A_4 = vector.broadcast %mul3A_3 : i32 to vector<16xi32>
    %mul3A_5 = arith.muli %iota3A, %mul3A_4 : vector<16xi32>
    %scan3A = arith.constant 0 : i32
    %scan3A_6 = arith.constant 250 : i32
    %scan3A_7 = arith.addi %scan3A, %scan3A_6 : i32
    %scan3A_8 = arith.constant 1 : i32
    scf.for %scan3A_10 = %scan3A to %scan3A_7 step %scan3A_8  : i32 {
      %mul3A_11 = arith.constant 1 : i32
      %mul3A_12 = arith.muli %scan3A_10, %mul3A_11 : i32
      %add3A_13 = arith.constant 0 : i32
      %add3A_14 = arith.addi %add3A_13, %mul3A_12 : i32
      %mul3A_15 = arith.constant 800 : i32
      %mul3A_16 = arith.muli %add3A_14, %mul3A_15 : i32
      %add3A_17 = arith.addi %mul3A_2, %mul3A_16 : i32
      "tpu.region"() ({
        %run_scoped3A = tpu.sem_alloc : memref<!tpu.dma_semaphore, #tpu.memory_space<semaphore_mem>>
        %dma_start3A = tpu.memref_slice %arg3[%add3A_17] : memref<12800000xi32, #tpu.memory_space<hbm>> -> memref<800xi32, #tpu.memory_space<hbm>>
        %dma_start3A_27 = tpu.memref_slice %arg3[%add3A_17] : memref<12800000xi32, #tpu.memory_space<hbm>> -> memref<800xi32, #tpu.memory_space<hbm>>
        tpu.enqueue_dma source(%dma_start3A_27 : memref<800xi32, #tpu.memory_space<hbm>>) target(%arg8 : memref<800xi32, #tpu.memory_space<vmem>>) target_semaphore(%run_scoped3A : memref<!tpu.dma_semaphore, #tpu.memory_space<semaphore_mem>>)
        %dma_wait3A = tpu.memref_slice %arg3[%add3A_17] : memref<12800000xi32, #tpu.memory_space<hbm>> -> memref<800xi32, #tpu.memory_space<hbm>>
        %dma_wait3A_28 = tpu.memref_slice %arg3[%add3A_17] : memref<12800000xi32, #tpu.memory_space<hbm>> -> memref<800xi32, #tpu.memory_space<hbm>>
        tpu.wait_dma2 semaphore(%run_scoped3A : memref<!tpu.dma_semaphore, #tpu.memory_space<semaphore_mem>>) src(%dma_wait3A_28 : memref<800xi32, #tpu.memory_space<hbm>>) dst(%arg8 : memref<800xi32, #tpu.memory_space<vmem>>)
        tpu.yield
      }) : () -> ()
      %add3A_18 = arith.constant 6400000 : i32
      %add3A_19 = arith.addi %add3A_18, %add3A_17 : i32
      "tpu.region"() ({
        %run_scoped3A = tpu.sem_alloc : memref<!tpu.dma_semaphore, #tpu.memory_space<semaphore_mem>>
        %dma_start3A = tpu.memref_slice %arg3[%add3A_19] : memref<12800000xi32, #tpu.memory_space<hbm>> -> memref<800xi32, #tpu.memory_space<hbm>>
        %dma_start3A_27 = tpu.memref_slice %arg3[%add3A_19] : memref<12800000xi32, #tpu.memory_space<hbm>> -> memref<800xi32, #tpu.memory_space<hbm>>
        tpu.enqueue_dma source(%dma_start3A_27 : memref<800xi32, #tpu.memory_space<hbm>>) target(%arg9 : memref<800xi32, #tpu.memory_space<vmem>>) target_semaphore(%run_scoped3A : memref<!tpu.dma_semaphore, #tpu.memory_space<semaphore_mem>>)
        %dma_wait3A = tpu.memref_slice %arg3[%add3A_19] : memref<12800000xi32, #tpu.memory_space<hbm>> -> memref<800xi32, #tpu.memory_space<hbm>>
        %dma_wait3A_28 = tpu.memref_slice %arg3[%add3A_19] : memref<12800000xi32, #tpu.memory_space<hbm>> -> memref<800xi32, #tpu.memory_space<hbm>>
        tpu.wait_dma2 semaphore(%run_scoped3A : memref<!tpu.dma_semaphore, #tpu.memory_space<semaphore_mem>>) src(%dma_wait3A_28 : memref<800xi32, #tpu.memory_space<hbm>>) dst(%arg9 : memref<800xi32, #tpu.memory_space<vmem>>)
        tpu.yield
      }) : () -> ()
      %mul3A_20 = arith.constant 4 : i32
      %mul3A_21 = arith.muli %add3A_17, %mul3A_20 : i32
      "tpu.region"() ({
        %run_scoped3A = tpu.sem_alloc : memref<!tpu.dma_semaphore, #tpu.memory_space<semaphore_mem>>
        %dma_start3A = tpu.memref_slice %arg4[%mul3A_21] : memref<25600000xf32, #tpu.memory_space<hbm>> -> memref<3200xf32, #tpu.memory_space<hbm>>
        %dma_start3A_27 = tpu.memref_slice %arg4[%mul3A_21] : memref<25600000xf32, #tpu.memory_space<hbm>> -> memref<3200xf32, #tpu.memory_space<hbm>>
        tpu.enqueue_dma source(%dma_start3A_27 : memref<3200xf32, #tpu.memory_space<hbm>>) target(%arg10 : memref<3200xf32, #tpu.memory_space<vmem>>) target_semaphore(%run_scoped3A : memref<!tpu.dma_semaphore, #tpu.memory_space<semaphore_mem>>)
        %dma_wait3A = tpu.memref_slice %arg4[%mul3A_21] : memref<25600000xf32, #tpu.memory_space<hbm>> -> memref<3200xf32, #tpu.memory_space<hbm>>
        %dma_wait3A_28 = tpu.memref_slice %arg4[%mul3A_21] : memref<25600000xf32, #tpu.memory_space<hbm>> -> memref<3200xf32, #tpu.memory_space<hbm>>
        tpu.wait_dma2 semaphore(%run_scoped3A : memref<!tpu.dma_semaphore, #tpu.memory_space<semaphore_mem>>) src(%dma_wait3A_28 : memref<3200xf32, #tpu.memory_space<hbm>>) dst(%arg10 : memref<3200xf32, #tpu.memory_space<vmem>>)
        tpu.yield
      }) : () -> ()
      %scan3A_22 = arith.constant 0 : i32
      %scan3A_23 = arith.constant 50 : i32
      %scan3A_24 = arith.addi %scan3A_22, %scan3A_23 : i32
      %scan3A_25 = arith.constant 1 : i32
      scf.for %scan3A_27 = %scan3A_22 to %scan3A_24 step %scan3A_25  : i32 {
        %mul3A_28 = arith.constant 1 : i32
        %mul3A_29 = arith.muli %scan3A_27, %mul3A_28 : i32
        %add3A_30 = arith.constant 0 : i32
        %add3A_31 = arith.addi %add3A_30, %mul3A_29 : i32
        %mul3A_32 = arith.constant 16 : i32
        %mul3A_33 = arith.muli %add3A_31, %mul3A_32 : i32
        %get3A = arith.index_cast %mul3A_33 : i32 to index
        %get3A_34 = tpu.vector_load %arg8[%get3A] {strides = array<i32>} : memref<800xi32, #tpu.memory_space<vmem>>, vector<16xi32>,
        %get3A_35 = arith.index_cast %mul3A_33 : i32 to index
        %get3A_36 = tpu.vector_load %arg9[%get3A_35] {strides = array<i32>} : memref<800xi32, #tpu.memory_space<vmem>>, vector<16xi32>,
        %gather3A = tpu.vector_load_idx %arg7[%get3A_34] : memref<100096xi32, #tpu.memory_space<vmem>>[vector<16xi32>], vector<16xi32>,
        %gather3A_37 = tpu.vector_load_idx %arg7[%get3A_36] : memref<100096xi32, #tpu.memory_space<vmem>>[vector<16xi32>], vector<16xi32>,
        %and3A = arith.constant -65536 : i32
        %and3A_38 = vector.broadcast %and3A : i32 to vector<16xi32>
        %and3A_39 = arith.andi %gather3A, %and3A_38 : vector<16xi32>
        %bitcast3A = vector.bitcast %and3A_39 : vector<16xi32> to vector<16xf32>
        %shift_left3A = arith.constant 16 : i32
        %shift_left3A_40 = vector.broadcast %shift_left3A : i32 to vector<16xi32>
        %shift_left3A_41 = arith.shli %gather3A, %shift_left3A_40 : vector<16xi32>
        %bitcast3A_42 = vector.bitcast %shift_left3A_41 : vector<16xi32> to vector<16xf32>
        %and3A_43 = arith.constant -65536 : i32
        %and3A_44 = vector.broadcast %and3A_43 : i32 to vector<16xi32>
        %and3A_45 = arith.andi %gather3A_37, %and3A_44 : vector<16xi32>
        %bitcast3A_46 = vector.bitcast %and3A_45 : vector<16xi32> to vector<16xf32>
        %shift_left3A_47 = arith.constant 16 : i32
        %shift_left3A_48 = vector.broadcast %shift_left3A_47 : i32 to vector<16xi32>
        %shift_left3A_49 = arith.shli %gather3A_37, %shift_left3A_48 : vector<16xi32>
        %bitcast3A_50 = vector.bitcast %shift_left3A_49 : vector<16xi32> to vector<16xf32>
        %mul3A_51 = arith.constant 4 : i32
        %mul3A_52 = arith.muli %mul3A_33, %mul3A_51 : i32
        %add3A_53 = vector.broadcast %mul3A_52 : i32 to vector<16xi32>
        %add3A_54 = arith.addi %mul3A_5, %add3A_53 : vector<16xi32>
        %gather3A_55 = tpu.vector_load_idx %arg10[%add3A_54] : memref<3200xf32, #tpu.memory_space<vmem>>[vector<16xi32>], vector<16xf32>,
        %add3A_56 = arith.constant 1 : i32
        %add3A_57 = vector.broadcast %add3A_56 : i32 to vector<16xi32>
        %add3A_58 = arith.addi %add3A_54, %add3A_57 : vector<16xi32>
        %gather3A_59 = tpu.vector_load_idx %arg10[%add3A_58] : memref<3200xf32, #tpu.memory_space<vmem>>[vector<16xi32>], vector<16xf32>,
        %add3A_60 = arith.constant 2 : i32
        %add3A_61 = vector.broadcast %add3A_60 : i32 to vector<16xi32>
        %add3A_62 = arith.addi %add3A_54, %add3A_61 : vector<16xi32>
        %gather3A_63 = tpu.vector_load_idx %arg10[%add3A_62] : memref<3200xf32, #tpu.memory_space<vmem>>[vector<16xi32>], vector<16xf32>,
        %add3A_64 = arith.constant 3 : i32
        %add3A_65 = vector.broadcast %add3A_64 : i32 to vector<16xi32>
        %add3A_66 = arith.addi %add3A_54, %add3A_65 : vector<16xi32>
        %gather3A_67 = tpu.vector_load_idx %arg10[%add3A_66] : memref<3200xf32, #tpu.memory_space<vmem>>[vector<16xi32>], vector<16xf32>,
        %mul3A_68 = arith.mulf %gather3A_55, %bitcast3A : vector<16xf32>
        %mul3A_69 = arith.mulf %gather3A_59, %bitcast3A_42 : vector<16xf32>
        %sub3A = arith.subf %mul3A_68, %mul3A_69 : vector<16xf32>
        %mul3A_70 = arith.mulf %gather3A_63, %bitcast3A_46 : vector<16xf32>
        %add3A_71 = arith.addf %sub3A, %mul3A_70 : vector<16xf32>
        %mul3A_72 = arith.mulf %gather3A_67, %bitcast3A_50 : vector<16xf32>
        %sub3A_73 = arith.subf %add3A_71, %mul3A_72 : vector<16xf32>
        %mul3A_74 = arith.mulf %gather3A_55, %bitcast3A_42 : vector<16xf32>
        %mul3A_75 = arith.mulf %gather3A_59, %bitcast3A : vector<16xf32>
        %add3A_76 = arith.addf %mul3A_74, %mul3A_75 : vector<16xf32>
        %mul3A_77 = arith.mulf %gather3A_63, %bitcast3A_50 : vector<16xf32>
        %add3A_78 = arith.addf %add3A_76, %mul3A_77 : vector<16xf32>
        %mul3A_79 = arith.mulf %gather3A_67, %bitcast3A_46 : vector<16xf32>
        %add3A_80 = arith.addf %add3A_78, %mul3A_79 : vector<16xf32>
        %mul3A_81 = arith.mulf %bitcast3A, %sub3A_73 : vector<16xf32>
        %mul3A_82 = arith.mulf %bitcast3A_42, %add3A_80 : vector<16xf32>
        %add3A_83 = arith.addf %mul3A_81, %mul3A_82 : vector<16xf32>
        %swap3A = arith.index_cast %mul3A_33 : i32 to index
        %swap3A_84 = tpu.vector_load %arg11[%swap3A] {strides = array<i32>} : memref<800xf32, #tpu.memory_space<vmem>>, vector<16xf32>,
        tpu.vector_store %arg11[%swap3A], %add3A_83 {strides = array<i32>} : memref<800xf32, #tpu.memory_space<vmem>>, vector<16xf32>,
        %mul3A_85 = arith.mulf %bitcast3A_42, %sub3A_73 : vector<16xf32>
        %mul3A_86 = arith.mulf %bitcast3A, %add3A_80 : vector<16xf32>
        %sub3A_87 = arith.subf %mul3A_85, %mul3A_86 : vector<16xf32>
        %swap3A_88 = arith.index_cast %mul3A_33 : i32 to index
        %swap3A_89 = tpu.vector_load %arg12[%swap3A_88] {strides = array<i32>} : memref<800xf32, #tpu.memory_space<vmem>>, vector<16xf32>,
        tpu.vector_store %arg12[%swap3A_88], %sub3A_87 {strides = array<i32>} : memref<800xf32, #tpu.memory_space<vmem>>, vector<16xf32>,
      }
      %scan3A_26 = arith.constant 50 : i32
      "tpu.region"() ({
        %run_scoped3A = tpu.sem_alloc : memref<!tpu.dma_semaphore, #tpu.memory_space<semaphore_mem>>
        %dma_start3A = tpu.memref_slice %arg5[%add3A_17] : memref<6400000xf32, #tpu.memory_space<hbm>> -> memref<800xf32, #tpu.memory_space<hbm>>
        %dma_start3A_27 = tpu.memref_slice %arg5[%add3A_17] : memref<6400000xf32, #tpu.memory_space<hbm>> -> memref<800xf32, #tpu.memory_space<hbm>>
        tpu.enqueue_dma source(%arg11 : memref<800xf32, #tpu.memory_space<vmem>>) target(%dma_start3A_27 : memref<800xf32, #tpu.memory_space<hbm>>) target_semaphore(%run_scoped3A : memref<!tpu.dma_semaphore, #tpu.memory_space<semaphore_mem>>)
        %dma_wait3A = tpu.memref_slice %arg5[%add3A_17] : memref<6400000xf32, #tpu.memory_space<hbm>> -> memref<800xf32, #tpu.memory_space<hbm>>
        %dma_wait3A_28 = tpu.memref_slice %arg5[%add3A_17] : memref<6400000xf32, #tpu.memory_space<hbm>> -> memref<800xf32, #tpu.memory_space<hbm>>
        tpu.wait_dma2 semaphore(%run_scoped3A : memref<!tpu.dma_semaphore, #tpu.memory_space<semaphore_mem>>) src(%arg11 : memref<800xf32, #tpu.memory_space<vmem>>) dst(%dma_wait3A_28 : memref<800xf32, #tpu.memory_space<hbm>>)
        tpu.yield
      }) : () -> ()
      "tpu.region"() ({
        %run_scoped3A = tpu.sem_alloc : memref<!tpu.dma_semaphore, #tpu.memory_space<semaphore_mem>>
        %dma_start3A = tpu.memref_slice %arg6[%add3A_17] : memref<6400000xf32, #tpu.memory_space<hbm>> -> memref<800xf32, #tpu.memory_space<hbm>>
        %dma_start3A_27 = tpu.memref_slice %arg6[%add3A_17] : memref<6400000xf32, #tpu.memory_space<hbm>> -> memref<800xf32, #tpu.memory_space<hbm>>
        tpu.enqueue_dma source(%arg12 : memref<800xf32, #tpu.memory_space<vmem>>) target(%dma_start3A_27 : memref<800xf32, #tpu.memory_space<hbm>>) target_semaphore(%run_scoped3A : memref<!tpu.dma_semaphore, #tpu.memory_space<semaphore_mem>>)
        %dma_wait3A = tpu.memref_slice %arg6[%add3A_17] : memref<6400000xf32, #tpu.memory_space<hbm>> -> memref<800xf32, #tpu.memory_space<hbm>>
        %dma_wait3A_28 = tpu.memref_slice %arg6[%add3A_17] : memref<6400000xf32, #tpu.memory_space<hbm>> -> memref<800xf32, #tpu.memory_space<hbm>>
        tpu.wait_dma2 semaphore(%run_scoped3A : memref<!tpu.dma_semaphore, #tpu.memory_space<semaphore_mem>>) src(%arg12 : memref<800xf32, #tpu.memory_space<vmem>>) dst(%dma_wait3A_28 : memref<800xf32, #tpu.memory_space<hbm>>)
        tpu.yield
      }) : () -> ()
    }
    %scan3A_9 = arith.constant 250 : i32
    return
  }
}

module attributes {stable_mosaic.version = 14 : i64} {
  func.func @_node_table_body(%arg0: memref<782x128xf32, #tpu.memory_space<vmem>>, %arg1: memref<782x128xf32, #tpu.memory_space<vmem>>, %arg2: memref<782x128xi32, #tpu.memory_space<vmem>>) attributes {dimension_semantics = [], scalar_prefetch = 0 : i64, scratch_operands = 0 : i64, tpu.core_type = #tpu.core_type<tc>} {
    %get3A = arith.constant 0 : index
    %get3A_0 = arith.constant 0 : index
    %get3A_1 = vector.load %arg0[%get3A, %get3A_0] : memref<782x128xf32, #tpu.memory_space<vmem>>, vector<782x128xf32>
    %get3A_2 = arith.constant 0 : index
    %get3A_3 = arith.constant 0 : index
    %get3A_4 = vector.load %arg1[%get3A_2, %get3A_3] : memref<782x128xf32, #tpu.memory_space<vmem>>, vector<782x128xf32>
    %cos3A = math.cos %get3A_4 : vector<782x128xf32>
    %mul3A = arith.mulf %get3A_1, %cos3A : vector<782x128xf32>
    %sin3A = math.sin %get3A_4 : vector<782x128xf32>
    %mul3A_5 = arith.mulf %get3A_1, %sin3A : vector<782x128xf32>
    %convert_element_type3A = arith.truncf %mul3A : vector<782x128xf32> to vector<782x128xbf16>
    %bitcast_convert_type3A = tpu.bitcast %convert_element_type3A : vector<782x128xbf16> -> vector<782x128xi16>
    %convert_element_type3A_6 = arith.extui %bitcast_convert_type3A : vector<782x128xi16> to vector<782x128xi32>
    %convert_element_type3A_7 = arith.truncf %mul3A_5 : vector<782x128xf32> to vector<782x128xbf16>
    %bitcast_convert_type3A_8 = tpu.bitcast %convert_element_type3A_7 : vector<782x128xbf16> -> vector<782x128xi16>
    %convert_element_type3A_9 = arith.extui %bitcast_convert_type3A_8 : vector<782x128xi16> to vector<782x128xi32>
    %shift_left3A = arith.constant 16 : i32
    %shift_left3A_10 = vector.broadcast %shift_left3A : i32 to vector<782x128xi32>
    %shift_left3A_11 = arith.shli %convert_element_type3A_6, %shift_left3A_10 : vector<782x128xi32>
    %or3A = arith.ori %shift_left3A_11, %convert_element_type3A_9 : vector<782x128xi32>
    %bitcast_convert_type3A_12 = tpu.bitcast %or3A : vector<782x128xi32> -> vector<782x128xi32>
    %swap3A = arith.constant 0 : index
    %swap3A_13 = arith.constant 0 : index
    %swap3A_14 = vector.load %arg2[%swap3A, %swap3A_13] : memref<782x128xi32, #tpu.memory_space<vmem>>, vector<782x128xi32>
    tpu.vector_store %arg2[%swap3A, %swap3A_13], %bitcast_convert_type3A_12 {strides = array<i32>} : memref<782x128xi32, #tpu.memory_space<vmem>>, vector<782x128xi32>,
    return
  }
}

</mosaic_0001>

<sc_bundles>
// kernel: kernel.4.cloned.1.call-start
scs
__scs_entry_jumppad:
0x0: {  	(pc) =	sbr.rel $0x88, $3  }
0x1: {  	(tag) =	ssettag $0x0;
	lr =	simm.s32 $0x1  }
0x2: {  	[smem:$0x3F9E] =	sst lr;
	_ =	strace $0xD0000000  }
0x3: {  	_ = 	snop  }
0x4: {  	_ = 	snop  }
0x5: {  	_ = 	snop  }
0x6: {  	_ = 	snop  }
0x7: {  	_ = 	snop  }
__scs_overlays_trampoline_lowered:
0x8: {  	[smem:$0x3FAD] =	sst s0  }
0x9: {  	[smem:$0x3FAE] =	sst s1  }
0xa: {  	[smem:$0x3FAF] =	sst s2  }
0xb: {  	[smem:$0x3FB0] =	sst s3  }
0xc: {  	[smem:$0x3FB1] =	sst s4  }
0xd: {  	[smem:$0x3FB2] =	sst s5  }
0xe: {  	[smem:$0x3FB3] =	sst s6  }
0xf: {  	[smem:$0x3FB4] =	sst s7  }
0x10: {  	[smem:$0x3FB5] =	sst s8  }
0x11: {  	[smem:$0x3FB6] =	sst s9;
	s0 =	simm.s32 @!p0 $0x0  }
0x12: {  	s1 =	sld [smem:$0x3F9C];
	s0 =	simm.s32 @p0 $0x1  }
0x13: {  	[smem:$0x3FB7] =	sst s0;
	s0 =	simm.s32 @!p1 $0x0  }
0x14: {  	s2 =	sld [smem:$0x3F9B];
	s0 =	simm.s32 @p1 $0x1  }
0x15: {  	[smem:$0x3FB8] =	sst s0;
	s0 =	simm.s32 @!p2 $0x0  }
0x16: {  	s3 =	sld [smem:$0x3FDB];
	s0 =	simm.s32 @p2 $0x1  }
0x17: {  	s4 =	simm.s32 $0x1BF5;
	[smem:$0x3FBA] =	sst s0  }
0x18: {  	s0 =	sld [smem:$0x3F9D];
	_ =	swait.ge [sflag:s4], $0x0  }
0x19: {  	s7 =	sld [smem:$0x3F9E]  }
0x1a: {  	s8 =	sadd.s32 $0xFFFFE003, lr  }
0x1b: {  	s9 =	sadd.s32 $0xFFFFFEF7, lr;
	s5 =	simm.s32 $0xFFFFFFFF;
	p2 =	slt.u32 s8, $0xFFFFF086  }
0x1c: {  	p1 =	slt.u32 s9, $0xF7A;
	s5 =	simm.s32 @!p2 $0x0  }
0x1d: {  	s5 =	simm.s32 @p1 $0x1;
	p0 =	seq.s32 s7, s2  }
0x1e: {  	s7 =	smul.u32 @!p0 $0xF7A, s2;
	p2 =	seq.s32 @!p0 s5, $0x0  }
0x1f: {  	s9 =	smul.u32 $0xF7A, s1;
	s8 =	simm.s32 @!p0 $0x1BF5;
	p2 =	por !p2, p0  }
0x20: {  	[sflag:s8] =	ssyncset.s32 @!p0 $0xFFFFF086;
	s6 =	sadd.s32 @!p0 s3, s7;
	s7 =	simm.s32 @!p0 $0x108  }
0x21: {  	s3 =	sadd.s32 s3, s9;
	s6 =	sadd.s32 @!p0 $0x88, s6;
	s7 =	simm.s32 @p2 $0x1082  }
0x22: {  	[simem:s7], [sflag:s8] =	dma.local @!p0 [hbm:s6], $0xF7A  }
0x23: {  	s9 =	sor.u32 $0xD0000000, s2;
	s6 =	simm.s32 $0x108;
	_ =	swait.ge @!p0 [sflag:s8], $0x0  }
0x24: {  	s3 =	sadd.s32 $0x88, s3;
	s6 =	simm.s32 @!p1 $0x1082;
	[sflag:s4] =	ssyncset.s32 $0xFFFFF086  }
0x25: {  	[simem:s6], [sflag:s4] =	dma.local [hbm:s3], $0xF7A  }
0x26: {  	[smem:$0x3F9E] =	sst s1;
	(tag) =	ssettag s2;
	_ =	strace s9  }
0x27: {  	s1 =	sld [smem:$0x3FAE]  }
0x28: {  	s2 =	sld [smem:$0x3FAF]  }
0x29: {  	s4 =	sld [smem:$0x3FB1]  }
0x2a: {  	p0 =	seq.s32 s5, $0x0;
	s5 =	sld [smem:$0x3FB2]  }
0x2b: {  	s6 =	sld [smem:$0x3FB3]  }
0x2c: {  	s7 =	sld [smem:$0x3FB4]  }
0x2d: {  	s3 =	simm.s32 $0x108;
	s8 =	sld [smem:$0x3FB5]  }
0x2e: {  	s3 =	simm.s32 @!p0 $0x1082;
	s9 =	sld [smem:$0x3FB6]  }
0x2f: {  	lr =	sadd.s32 s0, s3;
	s0 =	sld [smem:$0x3FAD]  }
0x30: {  	s3 =	sld [smem:$0x3FB0]  }
0x31: {  	[smem:$0x3FB9] =	sst s10  }
0x32: {  	s10 =	sld [smem:$0x3FB7];
	_ =	sdelay $0x3  }
0x33: {  	p0 =	seq.s32 s10, $0x1;
	s10 =	sld [smem:$0x3FB9];
	_ =	sdelay $0x3  }
0x34: {  	[smem:$0x3FB9] =	sst s10  }
0x35: {  	s10 =	sld [smem:$0x3FB8];
	_ =	sdelay $0x3  }
0x36: {  	p1 =	seq.s32 s10, $0x1;
	s10 =	sld [smem:$0x3FB9];
	_ =	sdelay $0x3  }
0x37: {  	[smem:$0x3FB9] =	sst s10  }
0x38: {  	s10 =	sld [smem:$0x3FBA]  }
0x39: {  	_ = 	snop;
	(pc) =	sbr.ind lr, $3  }
0x3a: {  	_ = 	snop  }
0x3b: {  	_ = 	snop  }
0x3c: {  	p2 =	seq.s32 s10, $0x1;
	s10 =	sld [smem:$0x3FB9]  }
0x3d: {  	_ =	shalt  }
0x3e: {  	_ =	shalt  }
0x3f: {  	_ =	shalt  }
0x40: {  	_ =	shalt  }
0x41: {  	_ =	shalt  }
0x42: {  	_ =	shalt  }
0x43: {  	_ =	shalt  }
0x44: {  	_ =	shalt  }
0x45: {  	_ =	shalt  }
0x46: {  	_ =	shalt  }
0x47: {  	_ =	shalt  }
0x48: {  	_ =	shalt  }
0x49: {  	_ =	shalt  }
0x4a: {  	_ =	shalt  }
0x4b: {  	_ =	shalt  }
0x4c: {  	_ =	shalt  }
0x4d: {  	_ =	shalt  }
0x4e: {  	_ =	shalt  }
0x4f: {  	_ =	shalt  }
0x50: {  	_ =	shalt  }
0x51: {  	_ =	shalt  }
0x52: {  	_ =	shalt  }
0x53: {  	_ =	shalt  }
0x54: {  	_ =	shalt  }
0x55: {  	_ =	shalt  }
0x56: {  	_ =	shalt  }
0x57: {  	_ =	shalt  }
0x58: {  	_ =	shalt  }
0x59: {  	_ =	shalt  }
0x5a: {  	_ =	shalt  }
0x5b: {  	_ =	shalt  }
0x5c: {  	_ =	shalt  }
0x5d: {  	_ =	shalt  }
0x5e: {  	_ =	shalt  }
0x5f: {  	_ =	shalt  }
0x60: {  	_ =	shalt  }
0x61: {  	_ =	shalt  }
0x62: {  	_ =	shalt  }
0x63: {  	_ =	shalt  }
0x64: {  	_ =	shalt  }
0x65: {  	_ =	shalt  }
0x66: {  	_ =	shalt  }
0x67: {  	_ =	shalt  }
0x68: {  	_ =	shalt  }
0x69: {  	_ =	shalt  }
0x6a: {  	_ =	shalt  }
0x6b: {  	_ =	shalt  }
0x6c: {  	_ =	shalt  }
0x6d: {  	_ =	shalt  }
0x6e: {  	_ =	shalt  }
0x6f: {  	_ =	shalt  }
0x70: {  	_ =	shalt  }
0x71: {  	_ =	shalt  }
0x72: {  	_ =	shalt  }
0x73: {  	_ =	shalt  }
0x74: {  	_ =	shalt  }
0x75: {  	_ =	shalt  }
0x76: {  	_ =	shalt  }
0x77: {  	_ =	shalt  }
0x78: {  	_ =	shalt  }
0x79: {  	_ =	shalt  }
0x7a: {  	_ =	shalt  }
0x7b: {  	_ =	shalt  }
0x7c: {  	_ =	shalt  }
0x7d: {  	_ =	shalt  }
0x7e: {  	_ =	shalt  }
0x7f: {  	_ =	shalt  }
0x80: {  	_ =	shalt  }
0x81: {  	_ =	shalt  }
0x82: {  	_ =	shalt  }
0x83: {  	_ =	shalt  }
0x84: {  	_ =	shalt  }
0x85: {  	_ =	shalt  }
0x86: {  	_ =	shalt  }
0x87: {  	_ =	shalt  }
.Lfunc_end0:
.L_simem_size_0:
called_computation.1_lowered:
.L_overlay_start_0:
0x88: {  	s2 =	sld [smem:$0x3FD9]  }
0x89: {  	s3 =	sld [smem:$0x3FFE];
	_ =	sdelay $0x1  }
0x8a: {  	s1 =	srdreg.scid  }
0x8b: {  	s0 =	sand.u32 $0x1, s1  }
0x8c: {  	s14 =	sshll.u32 s0, $0xA;
	s2 =	sadd.s32 s3, s2  }
0x8d: {  	s2 =	sadd.s32 s2, s14  }
0x8e: {  	[smem:$0x3FC5] =	sst s2  }
0x8f: {  	_ = 	snop  }
0x90: {  	s2 =	sld [smem:$0x3FD0];
	_ =	sdelay $0x2  }
0x91: {  	s15 =	simm.s32 $0xA;
	s4 =	simm.s32 $0x10  }
0x92: {  	[smem:s4], [sflag:s15] =	dma.local [hbm:s2], $0x1  }
0x93: {  	_ =	swait.eq [sflag:s15], $0x1  }
0x94: {  	[sflag:s15] =	ssyncset.done $0x0  }
0x95: {  	s16 =	sld [smem:$0x10];
	[sflag:s15] =	ssyncadd.s32 $0xFFFFFFFF  }
0x96: {  	s17 =	sld [smem:$0x11];
	(tm) =	ssettm $0x1  }
0x97: {  	s18 =	sld [smem:$0x3FFB];
	_ =	sdelay $0x3  }
0x98: {  	_ =	strace s18  }
0x99: {  	s4 =	sld [smem:$0x3FFC];
	_ =	sdelay $0x3  }
0x9a: {  	_ =	strace s4  }
0x9b: {  	s4 =	sld [smem:$0x3FFD];
	_ =	sdelay $0x3  }
0x9c: {  	_ =	strace s4  }
0x9d: {  	_ =	strace $0x8FFFFFFF  }
0x9e: {  	s19 =	sld [smem:$0x3FDB];
	_ =	sdelay $0x1  }
0x9f: {  	s5 =	simm.s32 $_scs_section_size  }
0xa0: {  	s6 =	simm.s32 $_size__tile_overlayer_lowered;
	s7 =	simm.s32 $_tile_overlayer_lowered  }
0xa1: {  	s22 =	simm.s32 $0x1BFF;
	s21 =	sshll.u32 s7, $0x1;
	s4 =	sadd.s32 s5, s19  }
0xa2: {  	s8 =	simm.s32 $0x0;
	s20 =	sshll.u32 s6, $0x1;
	s6 =	sadd.s32 s21, s4  }
0xa3: {  	[timem:s8], [sflag:s22] =	dma.local [hbm:s6], s20  }
0xa4: {  	_ =	swait.ge [sflag:s22], s20  }
0xa5: {  	s5 =	ssub.s32 $0x0, s20;
	[sflag:s22] =	ssyncset.done $0x0  }
0xa6: {  	[sflag:s22] =	ssyncadd.s32 s5;
	_ =	sdelay $0x1  }
0xa7: {  	s23 =	simm.s32 $0x1B8B  }
0xa8: {  	_ =	swait.ge [sflag:s23], $0x1  }
0xa9: {  	[sflag:s23] =	ssyncset.done $0x0  }
0xaa: {  	s25 =	simm.s32 $0x1B8E;
	s24 =	sld [smem:$0x3FFE];
	[sflag:s23] =	ssyncadd.s32 $0xFFFFFFFF  }
0xab: {  	s26 =	simm.s32 $execute0_lowered;
	[smem:$0x3FD2] =	sst s25  }
0xac: {  	s6 =	sshll.u32 s26, $0x1;
	_ =	strace $0x80000049;
	[dreg:$0x1] =	wrdreg $0xFFFFFFFF  }
0xad: {  	s28 =	simm.s32 $_size_execute0_lowered;
	s4 =	sadd.s32 s4, s6;
	[dreg:$0x0] =	wrdreg $0x0  }
0xae: {  	s6 =	sshll.u32 s28, $0x1;
	[dreg:$0x2] =	wrdreg s4  }
0xaf: {  	[dreg:$0x3] =	wrdreg s6  }
0xb0: {  	[dreg:$0x4] =	wrdreg $0xC0  }
0xb1: {  	_ =	task [dreg:s8], $0x5FFFF  }
0xb2: {  	[dreg:$0x1] =	wrdreg $0xFFFFFFFF  }
0xb3: {  	[dreg:$0x0] =	wrdreg $0x60  }
0xb4: {  	[dreg:$0x2] =	wrdreg s24  }
0xb5: {  	[dreg:$0x3] =	wrdreg s16  }
0xb6: {  	[dreg:$0x4] =	wrdreg s17  }
0xb7: {  	[dreg:$0x5] =	wrdreg $0x9  }
0xb8: {  	_ =	task.clear_ibuf [dreg:s8], $0x6FFFF;
	_ =	strace $0x90000049  }
0xb9: {  	s29 =	simm.s32 $0x9;
	_ =	strace $0x8000004B  }
0xba: {  	_ =	swait.ge [sflag:s29], $0x1  }
0xbb: {  	[sflag:s29] =	ssyncadd.s32 $0xFFFFFFFF  }
0xbc: {  	_ =	strace $0x9000004B  }
0xbd: {  	_ =	sfence  }
0xbe: {  	s30 =	sld [smem:$0x0];
	_ =	sdelay $0x2  }
0xbf: {  	s31 =	sshll.u32 s1, $0xD;
	s1 =	sshrl.u32 s1, $0x2  }
0xc0: {  	s3 =	sand.u32 $0x4000, s31;
	s1 =	sadd.s32 s1, s30  }
0xc1: {  	s0 =	sor.u32 s3, s0;
	s1 =	sshll.u32 s1, $0x11  }
0xc2: {  	s0 =	sor.u32 s1, s0  }
0xc3: {  	s0 =	sadd.s32 $0x8F2B, s0  }
0xc4: {  	[sflag:s0] =	ssyncadd.remote.s32 $0x1  }
0xc5: {  	_ =	sfence.sel $0xFFFF  }
0xc6: {  	[dreg:$0x0] =	wrdreg $0xFFFFFFFF;
	(pc) =	sbr.abs _section_cstart, $3  }
0xc7: {  	[dreg:$0x1] =	wrdreg $0xFFFFFFFF  }
0xc8: {  	_ =	task.clear_ibuf [dreg:s8], $0x2FFFF;
	_ =	strace $0x9FFFFFFF  }
0xc9: {  	(tm) =	ssettm $0x7FFFFFFF  }
tec
execute0_lowered:
.L_overlay_start_1:
0x0: {  	(tag) =	ssettag $0x1  }
0x1: {  	s7 =	rddreg [dreg:$0x0]  }
0x2: {  	s1 =	rddreg [dreg:$0x1]  }
0x3: {  	s2 =	rddreg [dreg:$0x2]  }
0x4: {  	s0 =	rddreg [dreg:$0x3];
	s3 =	simm.s32 $0x0;
	s4 =	srdreg.scid  }
0x5: {  	s12 =	simm.s32 $0x18A80;
	s13 =	simm.s32 $0x18E00;
	s14 =	simm.s32 $0x19A80  }
0x6: {  	s15 =	simm.s32 $0x19E00;
	s16 =	simm.s32 $0x0;
	[smem:$0x7FF] =	sst s3  }
0x7: {  	s8 =	sand.u32 $0x1, s4;
	s5 =	sadd.s32 $0x187200, s7;
	s4 =	stileid.u32  }
0x8: {  	v0 =	vlaneseq.u32;
	s6 =	sadd.s32 $0x800, s7;
	s7 =	sadd.s32 $0x632F200, s7;
	s9 =	ssub.s32 $0x2, s8  }
0x9: {  	v0 =	vmul.u32 $0x4, v0;
	_ =	strace $0x8000004A;
	s11 =	sshll.u32 s4, $0x1;
	s10 =	sshrl.u32 s9, $0x1  }
0xa: {  	s8 =	sor.u32 s8, s11;
	s11 =	simm.s32 $0x18700;
	s9 =	ssub.s32 s9, s10  }
0xb: {  	v1 =	vor.u32 $0x1, v0;
	v2 =	vor.u32 $0x2, v0;
	v3 =	vor.u32 $0x3, v0;
	s8 =	smul.u32 $0x30D40, s8;
	s10 =	simm.s32 $0x1;
	s9 =	smax.u32 s9, $0x1  }
.LBB2_1:
0xc: {  	[tilespmem:s3], [sflag:$0x1] =	stream.linear.gather [hbm4b:s5+s3], $0x18700, $0x38;
	[tilespmem:$0x1A180] =	vst v63  }
0xd: {  	_ =	swait.ge [sflag:s10], $0x18700  }
0xe: {  	[sflag:s10] =	ssyncset.done $0x0  }
0xf: {  	s17 =	simm.s32 $0x0;
	[sflag:s10] =	ssyncadd.s32 $0xFFFE7900  }
.LBB2_2:
0x10: {  	s18 =	smul.u32 $0x320, s17;
	_ =	sdelay $0x1  }
0x11: {  	s19 =	sadd.s32 s8, s18  }
0x12: {  	s18 =	sshrl.u32 s19, $0x3  }
0x13: {  	s21 =	simm.s32 $0x0;
	s20 =	sadd.s32 s6, s18  }
0x14: {  	[tilespmem:s11], [sflag:$0x1] =	stream.linear.gather [hbm4b:s20+s21], $0x320, $0x38;
	[tilespmem:$0x1A180] =	vst v63  }
0x15: {  	_ =	swait.ge [sflag:s10], $0x320  }
0x16: {  	[sflag:s10] =	ssyncset.done $0x0  }
0x17: {  	s20 =	sadd.s32 $0xC3500, s20;
	[sflag:s10] =	ssyncadd.s32 $0xFFFFFCE0  }
0x18: {  	[tilespmem:s12], [sflag:$0x1] =	stream.linear.gather [hbm4b:s20+s21], $0x320, $0x38;
	[tilespmem:$0x1A180] =	vst v63  }
0x19: {  	_ =	swait.ge [sflag:s10], $0x320  }
0x1a: {  	s19 =	sshrl.u32 s19, $0x1;
	[sflag:s10] =	ssyncset.done $0x0  }
0x1b: {  	s19 =	sadd.s32 s7, s19;
	[sflag:s10] =	ssyncadd.s32 $0xFFFFFCE0  }
0x1c: {  	[tilespmem:s13], [sflag:$0x1] =	stream.linear.gather [hbm4b:s19+s21], $0xC80, $0x38;
	[tilespmem:$0x1A180] =	vst v63  }
0x1d: {  	_ =	swait.ge [sflag:s10], $0xC80  }
0x1e: {  	[sflag:s10] =	ssyncset.done $0x0  }
0x1f: {  	s19 =	simm.s32 $0x0;
	[sflag:s10] =	ssyncadd.s32 $0xFFFFF380  }
0x20: {  	v4 =	vld [tilespmem:s19+$0x18700];
	_ =	sdelay $0x1  }
0x21: {  	v6 =	vor.u32 s21, v0;
	v5 =	vld [tilespmem:s19+$0x18A80];
	_ =	sdelay $0x1  }
0x22: {  	v7 =	vor.u32 s21, v1;
	_ =	sdelay $0x1  }
0x23: {  	v8 =	vor.u32 s21, v2  }
0x24: {  	v6 =	vld.idx.msk [tilespmem:v6+s13+$0x0], $0xffff  }
0x25: {  	v9 =	vor.u32 s21, v3;
	v4 =	vld.idx.msk [tilespmem:v4+s3+$0x0], $0xffff  }
0x26: {  	v7 =	vld.idx.msk [tilespmem:v7+s13+$0x0], $0xffff  }
0x27: {  	v5 =	vld.idx.msk [tilespmem:v5+s3+$0x0], $0xffff  }
0x28: {  	v8 =	vld.idx.msk [tilespmem:v8+s13+$0x0], $0xffff;
	_ =	sdelay $0x1  }
0x29: {  	v9 =	vld.idx.msk [tilespmem:v9+s13+$0x0], $0xffff;
	v11 =	vand.u32 $0xFFFF0000, v4;
	v10 =	vshll.u32 v4, $0x10  }
0x2a: {  	v4 =	vmul.f32 v11, v6;
	v12 =	vmul.f32 v10, v7  }
0x2b: {  	v13 =	vand.u32 $0xFFFF0000, v5;
	v6 =	vmul.f32 v10, v6;
	v7 =	vmul.f32 v11, v7  }
0x2c: {  	v5 =	vshll.u32 v5, $0x10;
	v63 =	vmul.f32 v13, v8;
	v4 =	vsub.f32 v4, v12  }
0x2d: {  	v6 =	vadd.f32 v7, v6;
	v7 =	vmul.f32 v5, v8  }
0x2e: {  	v5 =	vmul.f32 v5, v9;
	v4 =	vadd.f32 v63, v4  }
0x2f: {  	v6 =	vadd.f32 v7, v6;
	v7 =	vmul.f32 v13, v9  }
0x30: {  	v4 =	vsub.f32 v4, v5  }
0x31: {  	s21 =	simm.s32 $0x10;
	v6 =	vadd.f32 v7, v6  }
0x32: {  	v5 =	vld [tilespmem:s21+$0x18700];
	v8 =	vmul.f32 v11, v4  }
0x33: {  	s20 =	simm.s32 $0x40;
	v7 =	vmul.f32 v10, v4;
	v10 =	vmul.f32 v10, v6  }
0x34: {  	s22 =	simm.s32 $0x80;
	v4 =	vld [tilespmem:s21+$0x18A80];
	v9 =	vmul.f32 v11, v6;
	v6 =	vor.u32 s20, v0  }
.LBB2_3:
0x35: {  	p0 =	sne.s32 s22, $0xC40;
	v8 =	vadd.f32 v10, v8;
	s23 =	smov.u32 s22;
	s22 =	sadd.s32 $0x40, s22  }
0x36: {  	v10 =	vor.u32 s20, v1;
	v7 =	vsub.f32 v7, v9  }
0x37: {  	[tilespmem:s19+$0x19A80] =	vst v8  }
0x38: {  	v8 =	vor.u32 s20, v2;
	[tilespmem:s19+$0x19E00] =	vst v7;
	s19 =	smov.u32 s21  }
0x39: {  	v6 =	vld.idx.msk [tilespmem:v6+s13+$0x0], $0xffff  }
0x3a: {  	v7 =	vor.u32 s20, v3;
	s20 =	smov.u32 s23;
	v5 =	vld.idx.msk [tilespmem:v5+s3+$0x0], $0xffff  }
0x3b: {  	v9 =	vld.idx.msk [tilespmem:v10+s13+$0x0], $0xffff  }
0x3c: {  	v4 =	vld.idx.msk [tilespmem:v4+s3+$0x0], $0xffff  }
0x3d: {  	v8 =	vld.idx.msk [tilespmem:v8+s13+$0x0], $0xffff;
	_ =	sdelay $0x1  }
0x3e: {  	v7 =	vld.idx.msk [tilespmem:v7+s13+$0x0], $0xffff  }
0x3f: {  	v11 =	vand.u32 $0xFFFF0000, v5;
	v10 =	vshll.u32 v5, $0x10  }
0x40: {  	v5 =	vmul.f32 v11, v6;
	v12 =	vmul.f32 v10, v9  }
0x41: {  	v6 =	vmul.f32 v10, v6;
	v9 =	vmul.f32 v11, v9;
	v13 =	vand.u32 $0xFFFF0000, v4  }
0x42: {  	v4 =	vshll.u32 v4, $0x10;
	v5 =	vsub.f32 v5, v12;
	v12 =	vmul.f32 v13, v8  }
0x43: {  	v6 =	vadd.f32 v9, v6;
	v8 =	vmul.f32 v4, v8  }
0x44: {  	v5 =	vadd.f32 v12, v5;
	v4 =	vmul.f32 v4, v7  }
0x45: {  	v6 =	vadd.f32 v8, v6;
	v7 =	vmul.f32 v13, v7  }
.Ltmp0:
0x46: {  	s21 =	sshra.s32 s20, $0x2;
	v9 =	vsub.f32 v5, v4;
	(pc) =	sbr.rel @p0 .LBB2_3-.Ltmp0, $4  }
0x47: {  	v6 =	vadd.f32 v7, v6;
	v5 =	vld [tilespmem:s21+$0x18700]  }
0x48: {  	v8 =	vmul.f32 v11, v9;
	v7 =	vmul.f32 v10, v9;
	v4 =	vld [tilespmem:s21+$0x18A80]  }
0x49: {  	v10 =	vmul.f32 v10, v6;
	v9 =	vmul.f32 v11, v6  }
0x4a: {  	v6 =	vor.u32 s20, v0  }
0x4b: {  	v8 =	vadd.f32 v10, v8  }
0x4c: {  	v7 =	vsub.f32 v7, v9  }
0x4d: {  	v54 =	vor.u32 s20, v1;
	[tilespmem:s19+$0x19A80] =	vst v8  }
0x4e: {  	v55 =	vor.u32 s20, v2;
	[tilespmem:s19+$0x19E00] =	vst v7  }
0x4f: {  	v6 =	vld.idx.msk [tilespmem:v6+s13+$0x0], $0xffff  }
0x50: {  	v56 =	vor.u32 s20, v3;
	v5 =	vld.idx.msk [tilespmem:v5+s3+$0x0], $0xffff  }
0x51: {  	v4 =	vld.idx.msk [tilespmem:v4+s3+$0x0], $0xffff  }
0x52: {  	v57 =	vld.idx.msk [tilespmem:v54+s13+$0x0], $0xffff  }
0x53: {  	v8 =	vld.idx.msk [tilespmem:v55+s13+$0x0], $0xffff;
	_ =	sdelay $0x1  }
0x54: {  	v7 =	vld.idx.msk [tilespmem:v56+s13+$0x0], $0xffff;
	v58 =	vand.u32 $0xFFFF0000, v5;
	v5 =	vshll.u32 v5, $0x10  }
0x55: {  	v11 =	vmul.f32 v58, v6;
	v6 =	vmul.f32 v5, v6  }
0x56: {  	v13 =	vand.u32 $0xFFFF0000, v4;
	v12 =	vmul.f32 v5, v57;
	v9 =	vmul.f32 v58, v57  }
0x57: {  	v4 =	vshll.u32 v4, $0x10;
	v59 =	vmul.f32 v13, v8  }
0x58: {  	v8 =	vmul.f32 v4, v8;
	v11 =	vsub.f32 v11, v12;
	v6 =	vadd.f32 v9, v6  }
0x59: {  	v4 =	vmul.f32 v4, v7  }
0x5a: {  	v7 =	vmul.f32 v13, v7;
	v60 =	vadd.f32 v59, v11;
	v6 =	vadd.f32 v8, v6;
	_ =	sdelay $0x1  }
0x5b: {  	v4 =	vsub.f32 v60, v4;
	v6 =	vadd.f32 v7, v6;
	_ =	sdelay $0x1  }
0x5c: {  	v61 =	vmul.f32 v58, v4;
	v62 =	vmul.f32 v5, v6  }
0x5d: {  	v4 =	vmul.f32 v5, v4;
	v5 =	vmul.f32 v58, v6  }
0x5e: {  	v63 =	vadd.f32 v62, v61  }
0x5f: {  	v4 =	vsub.f32 v4, v5  }
0x60: {  	[tilespmem:s21+$0x19A80] =	vst v63  }
0x61: {  	s30 =	sadd.s32 s1, s18;
	[tilespmem:s21+$0x19E00] =	vst v4  }
0x62: {  	[hbm4b:s30+s3] =	stream.linear.scatter [tilespmem:s14], [sflag:$0x1], $0x320, $0x38;
	[tilespmem:$0x1A180] =	vst v63  }
0x63: {  	s17 =	sadd.s32 $0x1, s17;
	_ =	swait.ge [sflag:s10], $0x320  }
0x64: {  	p0 =	sne.s32 s17, $0xFA;
	[sflag:s10] =	ssyncset.done $0x0  }
.Ltmp1:
0x65: {  	s31 =	sadd.s32 s2, s18;
	[sflag:s10] =	ssyncadd.s32 $0xFFFFFCE0;
	(pc) =	sbr.rel @p0 .LBB2_2-.Ltmp1, $4  }
0x66: {  	[hbm4b:s31+s3] =	stream.linear.scatter [tilespmem:s15], [sflag:$0x1], $0x320, $0x38;
	[tilespmem:$0x1A180] =	vst v63  }
0x67: {  	_ =	swait.ge [sflag:s10], $0x320  }
0x68: {  	[sflag:s10] =	ssyncset.done $0x0  }
0x69: {  	[sflag:s10] =	ssyncadd.s32 $0xFFFFFCE0  }
0x6a: {  	s16 =	sadd.s32 $0x1, s16  }
0x6b: {  	p0 =	sne.s32 s16, s9  }
.Ltmp2:
0x6c: {  	_ = 	snop;
	(pc) =	sbr.rel @p0 .LBB2_1-.Ltmp2, $1  }
0x6d: {  	_ =	sdelay $0x3  }
0x6e: {  	_ =	sfence.sel $0x180000  }
0x6f: {  	[bflag:$0x0] =	sbarrier.arrive $0xFFFF  }
0x70: {  	p0 =	sne.s32 s4, $0x0;
	_ =	strace $0x9000004A  }
0x71: {  	s0 =	sadd.s32 @!p0 $0x100000, s0;
	[bflag:$0x2] =	sbarrier.arrive $0xFFFF  }
0x72: {  	[sflag:s0] =	ssyncadd.tile.s32 @!p0 $0x1;
	_ =	shalt  }
.Lfunc_end2:
_tile_overlayer_lowered:
.L_overlay_start_2:
0x73: {  	(tag) =	ssettag $0x2  }
0x74: {  	s0 =	rddreg [dreg:$0x0];
	s2 =	stileid.u32  }
0x75: {  	s1 =	rddreg [dreg:$0x1];
	p0 =	sne.s32 s2, $0x0  }
0x76: {  	s3 =	rddreg [dreg:$0x2];
	[bflag:$0x3] =	sbarrier.arrive $0xFFFF;
	s2 =	simm.s32 @!p0 $0x1C01  }
0x77: {  	[timem:s3], [sflag:s2] =	dma.local @!p0 [hbm:s0], s1  }
0x78: {  	s0 =	simm.s32 @!p0 $0x1  }
0x79: {  	_ =	swait.ge @!p0 [sflag:s0], s1  }
0x7a: {  	s1 =	ssub.s32 @!p0 $0x0, s1;
	[sflag:s0] =	ssyncset.done @!p0 $0x0  }
0x7b: {  	[sflag:s0] =	ssyncadd.s32 @!p0 s1  }
0x7c: {  	[bflag:$0x3] =	sbarrier.arrive $0xFFFF  }
0x7d: {  	_ =	shalt  }

// kernel: sparse-core-data-format-call.cloned.1.call-start
scs
called_computation_lowered:
.L_overlay_start_0:
0x0: {  	s2 =	sld [smem:$0x3FD9]  }
0x1: {  	s3 =	sld [smem:$0x3FFE];
	_ =	sdelay $0x1  }
0x2: {  	s1 =	srdreg.scid  }
0x3: {  	s0 =	sand.u32 $0x1, s1  }
0x4: {  	s18 =	sshll.u32 s0, $0xA;
	s2 =	sadd.s32 s3, s2  }
0x5: {  	s2 =	sadd.s32 s2, s18  }
0x6: {  	[smem:$0x3FC5] =	sst s2  }
0x7: {  	_ = 	snop  }
0x8: {  	s2 =	sld [smem:$0x3FC8];
	(tm) =	ssettm $0x1  }
0x9: {  	s19 =	sld [smem:$0x3FFB];
	_ =	sdelay $0x3  }
0xa: {  	_ =	strace s19  }
0xb: {  	s3 =	sld [smem:$0x3FFC];
	_ =	sdelay $0x3  }
0xc: {  	_ =	strace s3  }
0xd: {  	s3 =	sld [smem:$0x3FFD];
	_ =	sdelay $0x3  }
0xe: {  	_ =	strace s3  }
0xf: {  	_ =	strace $0x8FFFFFFF  }
0x10: {  	s20 =	sld [smem:$0x3FDB];
	_ =	sdelay $0x1  }
0x11: {  	s4 =	simm.s32 $_scs_section_size  }
0x12: {  	s5 =	simm.s32 $_size__tile_overlayer_lowered;
	s6 =	simm.s32 $_tile_overlayer_lowered  }
0x13: {  	s23 =	simm.s32 $0x1BFF;
	s22 =	sshll.u32 s6, $0x1;
	s3 =	sadd.s32 s4, s20  }
0x14: {  	s7 =	simm.s32 $0x0;
	s21 =	sshll.u32 s5, $0x1;
	s5 =	sadd.s32 s22, s3  }
0x15: {  	[timem:s7], [sflag:s23] =	dma.local [hbm:s5], s21  }
0x16: {  	_ =	swait.ge [sflag:s23], s21  }
0x17: {  	s4 =	ssub.s32 $0x0, s21;
	[sflag:s23] =	ssyncset.done $0x0  }
0x18: {  	[sflag:s23] =	ssyncadd.s32 s4;
	_ =	sdelay $0x1  }
0x19: {  	s24 =	simm.s32 $0x1B8B  }
0x1a: {  	_ =	swait.ge [sflag:s24], $0x1  }
0x1b: {  	[sflag:s24] =	ssyncset.done $0x0  }
0x1c: {  	s26 =	simm.s32 $0x1B8E;
	s25 =	sld [smem:$0x3FFE];
	[sflag:s24] =	ssyncadd.s32 $0xFFFFFFFF  }
0x1d: {  	s27 =	simm.s32 $execute0_lowered;
	[smem:$0x3FD2] =	sst s26  }
0x1e: {  	s5 =	sshll.u32 s27, $0x1;
	_ =	strace $0x80000046;
	[dreg:$0x1] =	wrdreg $0xFFFFFFFF  }
0x1f: {  	s28 =	simm.s32 $_size_execute0_lowered;
	s3 =	sadd.s32 s3, s5;
	[dreg:$0x0] =	wrdreg $0x0  }
0x20: {  	s5 =	sshll.u32 s28, $0x1;
	[dreg:$0x2] =	wrdreg s3  }
0x21: {  	[dreg:$0x3] =	wrdreg s5  }
0x22: {  	[dreg:$0x4] =	wrdreg $0xC0  }
0x23: {  	_ =	task [dreg:s7], $0x5FFFF  }
0x24: {  	[dreg:$0x1] =	wrdreg $0xFFFFFFFF  }
0x25: {  	[dreg:$0x0] =	wrdreg $0x60  }
0x26: {  	[dreg:$0x2] =	wrdreg s2  }
0x27: {  	[dreg:$0x3] =	wrdreg s25  }
0x28: {  	[dreg:$0x4] =	wrdreg $0x9  }
0x29: {  	_ =	task.clear_ibuf [dreg:s7], $0x5FFFF;
	_ =	strace $0x90000046  }
0x2a: {  	s29 =	simm.s32 $0x9;
	_ =	strace $0x80000048  }
0x2b: {  	_ =	swait.ge [sflag:s29], $0x1  }
0x2c: {  	[sflag:s29] =	ssyncadd.s32 $0xFFFFFFFF  }
0x2d: {  	_ =	strace $0x90000048  }
0x2e: {  	_ =	sfence  }
0x2f: {  	s30 =	sld [smem:$0x0];
	_ =	sdelay $0x2  }
0x30: {  	s31 =	sshll.u32 s1, $0xD;
	s1 =	sshrl.u32 s1, $0x2  }
0x31: {  	s3 =	sand.u32 $0x4000, s31;
	s1 =	sadd.s32 s1, s30  }
0x32: {  	s0 =	sor.u32 s3, s0;
	s1 =	sshll.u32 s1, $0x11  }
0x33: {  	s0 =	sor.u32 s1, s0  }
0x34: {  	s0 =	sadd.s32 $0x8F2B, s0  }
0x35: {  	[sflag:s0] =	ssyncadd.remote.s32 $0x1  }
0x36: {  	_ =	sfence.sel $0xFFFF  }
0x37: {  	[dreg:$0x0] =	wrdreg $0xFFFFFFFF;
	(pc) =	sbr.abs _section_cstart, $3  }
0x38: {  	[dreg:$0x1] =	wrdreg $0xFFFFFFFF  }
0x39: {  	_ =	task.clear_ibuf [dreg:s7], $0x2FFFF;
	_ =	strace $0x9FFFFFFF  }
0x3a: {  	(tm) =	ssettm $0x7FFFFFFF  }
0x3b: {  	_ =	shalt  }
tec
execute0_lowered:
.L_overlay_start_1:
0x0: {  	(tag) =	ssettag $0x1  }
0x1: {  	s0 =	stileid.u32;
	s7 =	rddreg [dreg:$0x0]  }
0x2: {  	s1 =	srdreg.scid;
	s4 =	rddreg [dreg:$0x1]  }
0x3: {  	s30 =	simm.s32 $0x2;
	s10 =	simm.s32 $0x0;
	s14 =	simm.s32 $0x0  }
0x4: {  	s15 =	simm.s32 $0x0;
	s11 =	simm.s32 $0x0;
	s13 =	simm.s32 $0x0  }
0x5: {  	s2 =	sand.u32 $0x1, s1;
	s3 =	sshll.u32 s0, $0x7;
	s1 =	rddreg [dreg:$0x2]  }
0x6: {  	_ =	strace $0x80000047;
	s5 =	ssub.s32 $0xC300, s3;
	s6 =	ssub.s32 $0x2, s2  }
.Ltmp0:
0x7: {  	s5 =	sshrl.u32 s5, $0xB;
	s8 =	sshrl.u32 s6, $0x1;
	(pc) =	sbr.rel .LBB1_1-.Ltmp0, $4  }
0x8: {  	s4 =	sadd.s32 $0x800, s4;
	s9 =	sadd.s32 $0x1, s5;
	s6 =	ssub.s32 s6, s8  }
0x9: {  	s31 =	sshll.u32 s2, $0x4;
	s5 =	simm.s32 $0x1;
	s6 =	smul.u32 s9, s6  }
0xa: {  	s12 =	smov.u32 s3;
	s7 =	sadd.s32 s7, s31;
	[sflag:s5] =	ssyncpa.u1 $0x0  }
0xb: {  	s9 =	simm.s32 $0x0;
	[sflag:s30] =	ssyncpa.u1 $0x0;
	s8 =	sadd.s32 $0x1, s6  }
.LBB1_4:
0xc: {  	s21 =	simm.s32 $0x0  }
.LBB1_8:
0xd: {  	_ =	sdelay $0x3  }
0xe: {  	v6 =	vld [tilespmem:s18+$0xFFFFFFC0];
	[tilespmem:v0+s20+$0x30 ss:$0x1] =	vst.idx.msk @p0 $0xffff, v2  }
0xf: {  	v58 =	vld [tilespmem:s18+$0xFFFFFFD0];
	[tilespmem:v0+s20+$0x40 ss:$0x1] =	vst.idx.msk @p0 $0xffff, v3;
	s21 =	sadd.s32 @p0 $0x80, s21  }
0x10: {  	v59 =	vld [tilespmem:s18+$0xFFFFFFE0];
	[tilespmem:v0+s20+$0x50 ss:$0x1] =	vst.idx.msk @p0 $0xffff, v5;
	s19 =	smov.u32 @p0 s21  }
0x11: {  	v60 =	vld [tilespmem:s18+$0xFFFFFFF0];
	[tilespmem:v0+s20+$0x60 ss:$0x1] =	vst.idx.msk @p0 $0xffff, v4;
	s19 =	sand.u32 $0x3F80, s19  }
0x12: {  	v61 =	vld [tilespmem:s18+$0x0];
	[tilespmem:v0+s19+$0x70 ss:$0x1] =	vst.idx.msk $0xffff, v1  }
0x13: {  	v62 =	vld [tilespmem:s18+$0x10];
	[tilespmem:v0+s19+$0x0 ss:$0x1] =	vst.idx.msk $0xffff, v6  }
0x14: {  	v63 =	vld [tilespmem:s18+$0x20];
	[tilespmem:v0+s19+$0x10 ss:$0x1] =	vst.idx.msk $0xffff, v58  }
0x15: {  	[tilespmem:v0+s19+$0x20 ss:$0x1] =	vst.idx.msk $0xffff, v59  }
0x16: {  	[tilespmem:v0+s19+$0x30 ss:$0x1] =	vst.idx.msk $0xffff, v60  }
0x17: {  	[tilespmem:v0+s19+$0x40 ss:$0x1] =	vst.idx.msk $0xffff, v61  }
0x18: {  	[tilespmem:v0+s19+$0x50 ss:$0x1] =	vst.idx.msk $0xffff, v62  }
0x19: {  	[tilespmem:v0+s19+$0x60 ss:$0x1] =	vst.idx.msk $0xffff, v63  }
.LBB1_9:
0x1a: {  	s18 =	sand.u32 $0x1FFFFFF, s11  }
0x1b: {  	s19 =	smulhi.u32 $0x14F8B59, s18;
	_ =	sdelay $0x1  }
0x1c: {  	s19 =	sshrl.u32 s19, $0x8  }
0x1d: {  	s19 =	smul.u32 $0xC350, s19  }
0x1e: {  	s15 =	smul.u32 $0xC3500, s15  }
0x1f: {  	s18 =	ssub.s32 s18, s19  }
0x20: {  	s15 =	sadd.s32 s4, s15;
	s18 =	sshll.u32 s18, $0x4  }
0x21: {  	s15 =	sadd.s32 s18, s15  }
0x22: {  	[hbm4b:s15+s9] =	stream.linear.scatter [tilespmem:s17], [sflag:$0x2], s16, $0x38;
	[tilespmem:$0x10000] =	vst v63  }
.LBB1_10:
0x23: {  	p0 =	slt.u32 s13, $0x2  }
0x24: {  	p1 =	sgt.s32 @!p0 s14, $0xC2D0  }
0x25: {  	s15 =	smov.u32 s14;
	s16 =	sshra.s32 @!p0 s14, $0x1F;
	p1 =	por !p1, p0  }
0x26: {  	s14 =	sand.u32 @!p0 s16, s14;
	s15 =	simm.s32 @p1 $0xC2D0  }
0x27: {  	s14 =	ssub.s32 @!p0 s15, s14  }
0x28: {  	s14 =	sadd.s32 @!p0 $0xFFFF3D30, s14  }
0x29: {  	s15 =	sshll.u32 @!p0 s14, $0x7  }
0x2a: {  	p1 =	sgt.s32 @!p0 s14, $0x7F;
	s14 =	ssub.s32 @!p0 $0x4000, s15  }
0x2b: {  	s16 =	sadd.s32 $0x800, s12;
	p1 =	por !p1, p0;
	s14 =	sand.u32 @!p0 $0x3FFFFF80, s14  }
0x2c: {  	s14 =	simm.s32 @!p1 $0x0;
	p1 =	sgt.s32 s16, $0xC34F  }
0x2d: {  	s16 =	smov.u32 @p1 s3;
	p1 =	sne.s32 s13, s8  }
.Ltmp1:
0x2e: {  	_ = 	snop;
	(pc) =	sbr.rel @!p1 .LBB1_11-.Ltmp1, $4  }
0x2f: {  	s10 =	sadd.s32 $0x4000, s10;
	s15 =	simm.s32 @!p0 $0x2  }
0x30: {  	_ =	swait.ge @!p0 [sflag:s15], s14;
	s17 =	ssub.s32 @!p0 $0x0, s14;
	s14 =	smov.u32 s11  }
0x31: {  	s13 =	sadd.s32 $0x1, s13;
	s11 =	smov.u32 s12;
	[sflag:s15] =	ssyncset.done @!p0 $0x0  }
0x32: {  	s12 =	smov.u32 s16;
	[sflag:s15] =	ssyncadd.s32 @!p0 s17;
	s15 =	smov.u32 s2  }
.LBB1_1:
0x33: {  	p0 =	sge.u32 s13, s6  }
0x34: {  	p1 =	sgt.s32 @!p0 s12, $0xC2D0  }
0x35: {  	s16 =	smov.u32 s12;
	s17 =	sshra.s32 @!p0 s12, $0x1F;
	p1 =	por !p1, p0  }
0x36: {  	s17 =	sand.u32 @!p0 s17, s12;
	s16 =	simm.s32 @p1 $0xC2D0  }
0x37: {  	s16 =	ssub.s32 @!p0 s16, s17  }
0x38: {  	s31 =	sadd.s32 $0xFFFFFFFF, s13;
	s18 =	sxor.u32 @!p0 $0xFFFFFFFF, s13;
	s16 =	sadd.s32 @!p0 $0xFFFF3D30, s16  }
0x39: {  	s19 =	simm.s32 @!p0 $0x80;
	s20 =	simm.s32 @!p0 $0x100;
	s17 =	sshll.u32 @!p0 s16, $0x7  }
0x3a: {  	p1 =	sgt.s32 @!p0 s16, $0x7F;
	s16 =	ssub.s32 @!p0 $0x4000, s17;
	s17 =	sshll.u32 @!p0 s18, $0xE  }
0x3b: {  	p1 =	por !p1, p0;
	s18 =	sshll.u32 @!p0 s12, $0x5;
	s16 =	sand.u32 @!p0 $0x3FFFFF80, s16  }
0x3c: {  	s17 =	sand.u32 @!p0 $0x4000, s17;
	s18 =	sadd.s32 @!p0 s18, s7;
	s16 =	simm.s32 @!p1 $0x0  }
0x3d: {  	[tilespmem:s17], [sflag:$0x1] =	stream.strided.gather @!p0 [hbm4b:s18+s19], s16, s20, s19, $0x38;
	[tilespmem:$0x10000] =	vst v63  }
0x3e: {  	p0 =	sge.u32 s31, s6  }
.Ltmp2:
0x3f: {  	_ = 	snop;
	(pc) =	sbr.rel @p0 .LBB1_10-.Ltmp2, $1  }
0x40: {  	_ =	sdelay $0x3  }
0x41: {  	p0 =	sgt.s32 s11, $0xC2D0;
	s16 =	smov.u32 s11;
	s17 =	sshra.s32 s11, $0x1F  }
0x42: {  	s16 =	simm.s32 @!p0 $0xC2D0;
	s17 =	sand.u32 s17, s11  }
0x43: {  	s16 =	ssub.s32 s16, s17  }
0x44: {  	s16 =	sadd.s32 $0xFFFF3D30, s16  }
0x45: {  	s30 =	sshll.u32 s16, $0x7  }
0x46: {  	s17 =	ssub.s32 $0x4000, s30  }
0x47: {  	p0 =	sgt.s32 s16, $0x7F;
	s16 =	sand.u32 $0x3FFFFF80, s17;
	s17 =	sadd.s32 $0x80, s11  }
0x48: {  	s16 =	simm.s32 @p0 $0x0;
	p0 =	slt.s32 s17, $0xC350  }
0x49: {  	s17 =	simm.s32 @!p0 $0xC350  }
0x4a: {  	s20 =	ssub.s32 s17, s11  }
0x4b: {  	p0 =	slt.s32 s20, $0x1  }
.Ltmp3:
0x4c: {  	_ = 	snop;
	(pc) =	sbr.rel @p0 .LBB1_9-.Ltmp3, $4  }
0x4d: {  	_ = 	snop  }
0x4e: {  	s19 =	sshll.u32 s13, $0xE;
	_ =	swait.ge [sflag:s5], s16  }
0x4f: {  	s31 =	sand.u32 $0x4000, s19;
	s18 =	ssub.s32 $0x0, s16;
	[sflag:s5] =	ssyncset.done $0x0  }
0x50: {  	s17 =	sor.u32 $0x8000, s31;
	[sflag:s5] =	ssyncadd.s32 s18  }
0x51: {  	p1 =	sne.s32 s20, $0x1  }
.Ltmp4:
0x52: {  	v0 =	vmov s17;
	(pc) =	sbr.rel @!p1 .LBB1_4-.Ltmp4, $4  }
0x53: {  	_ = 	snop  }
0x54: {  	s18 =	sand.u32 $0x4000, s10  }
0x55: {  	s18 =	sor.u32 $0x40, s18  }
0x56: {  	s19 =	simm.s32 $0x0;
	s21 =	sadd.s32 $0xFFFFFFFF, s20;
	p0 =	por $0x0, $0x0;
	v1 =	vld [tilespmem:s18+$0x30]  }
0x57: {  	v4 =	vld [tilespmem:s18+$0xFFFFFFC0]  }
0x58: {  	v6 =	vld [tilespmem:s18+$0xFFFFFFD0]  }
0x59: {  	v7 =	vld [tilespmem:s18+$0xFFFFFFE0];
	p1 =	sne.s32 s21, $0x1  }
.Ltmp5:
0x5a: {  	v2 =	vld [tilespmem:s18+$0xFFFFFFF0];
	s20 =	sand.u32 $0x3F80, s19;
	(pc) =	sbr.rel @!p1 .LBB1_6-.Ltmp5, $4  }
0x5b: {  	v3 =	vld [tilespmem:s18+$0x0];
	[tilespmem:v0+s20+$0x70 ss:$0x1] =	vst.idx.msk $0xffff, v1  }
0x5c: {  	v5 =	vld [tilespmem:s18+$0x10];
	[tilespmem:v0+s20+$0x0 ss:$0x1] =	vst.idx.msk $0xffff, v4  }
0x5d: {  	v4 =	vld [tilespmem:s18+$0x20];
	[tilespmem:v0+s20+$0x10 ss:$0x1] =	vst.idx.msk $0xffff, v6;
	s18 =	sadd.s32 $0x80, s18  }
0x5e: {  	s22 =	sadd.s32 $0xFFFFFFFF, s21;
	p0 =	por $0x1, $0x1;
	s21 =	simm.s32 $0x0;
	[tilespmem:v0+s20+$0x20 ss:$0x1] =	vst.idx.msk $0xffff, v7;
	v1 =	vld [tilespmem:s18+$0x30]  }
.LBB1_7:
0x5f: {  	p1 =	sne.s32 s22, $0x1;
	v6 =	vld [tilespmem:s18+$0xFFFFFFC0];
	[tilespmem:v0+s20+$0x30 ss:$0x1] =	vst.idx.msk $0xffff, v2  }
0x60: {  	v7 =	vld [tilespmem:s18+$0xFFFFFFD0];
	[tilespmem:v0+s20+$0x40 ss:$0x1] =	vst.idx.msk $0xffff, v3  }
0x61: {  	s21 =	sadd.s32 $0x80, s21;
	v8 =	vld [tilespmem:s18+$0xFFFFFFE0];
	[tilespmem:v0+s20+$0x50 ss:$0x1] =	vst.idx.msk $0xffff, v5  }
.Ltmp6:
0x62: {  	v2 =	vld [tilespmem:s18+$0xFFFFFFF0];
	[tilespmem:v0+s20+$0x60 ss:$0x1] =	vst.idx.msk $0xffff, v4;
	s20 =	sand.u32 $0x3F80, s21;
	(pc) =	sbr.rel @p1 .LBB1_7-.Ltmp6, $4  }
0x63: {  	v3 =	vld [tilespmem:s18+$0x0];
	[tilespmem:v0+s20+$0x70 ss:$0x1] =	vst.idx.msk $0xffff, v1  }
0x64: {  	[tilespmem:v0+s20+$0x0 ss:$0x1] =	vst.idx.msk $0xffff, v6;
	v5 =	vld [tilespmem:s18+$0x10]  }
0x65: {  	[tilespmem:v0+s20+$0x10 ss:$0x1] =	vst.idx.msk $0xffff, v7;
	v4 =	vld [tilespmem:s18+$0x20];
	s18 =	sadd.s32 $0x80, s18  }
0x66: {  	s22 =	sadd.s32 $0xFFFFFFFF, s22;
	v1 =	vld [tilespmem:s18+$0x30];
	[tilespmem:v0+s20+$0x20 ss:$0x1] =	vst.idx.msk $0xffff, v8  }
.Ltmp7:
0x67: {  	_ = 	snop;
	(pc) =	sbr.rel .LBB1_8-.Ltmp7, $1  }
0x68: {  	_ =	sdelay $0x3  }
.LBB1_6:
.Ltmp8:
0x69: {  	(pc) =	sbr.rel .LBB1_8-.Ltmp8, $2  }
0x6a: {  	_ =	sdelay $0x2  }
0x6b: {  	s21 =	simm.s32 $0x0  }
.LBB1_11:
0x6c: {  	_ =	sfence.sel $0x180000  }
0x6d: {  	s2 =	simm.s32 $0x1;
	[bflag:$0x0] =	sbarrier.arrive $0xFFFF  }
0x6e: {  	s31 =	simm.s32 $0x2;
	[sflag:s2] =	ssyncpa.u1 $0x1  }
0x6f: {  	[sflag:s31] =	ssyncpa.u1 $0x1  }
0x70: {  	p0 =	sne.s32 s0, $0x0;
	_ =	strace $0x90000047  }
0x71: {  	s0 =	sadd.s32 @!p0 $0x100000, s1;
	[bflag:$0x2] =	sbarrier.arrive $0xFFFF  }
0x72: {  	[sflag:s0] =	ssyncadd.tile.s32 @!p0 $0x1;
	_ =	shalt  }
.Lfunc_end1:
_tile_overlayer_lowered:
.L_overlay_start_2:
0x73: {  	(tag) =	ssettag $0x2  }
0x74: {  	s0 =	rddreg [dreg:$0x0];
	s2 =	stileid.u32  }
0x75: {  	s1 =	rddreg [dreg:$0x1];
	p0 =	sne.s32 s2, $0x0  }
0x76: {  	s3 =	rddreg [dreg:$0x2];
	[bflag:$0x3] =	sbarrier.arrive $0xFFFF;
	s2 =	simm.s32 @!p0 $0x1C01  }
0x77: {  	[timem:s3], [sflag:s2] =	dma.local @!p0 [hbm:s0], s1  }
0x78: {  	s0 =	simm.s32 @!p0 $0x1  }
0x79: {  	_ =	swait.ge @!p0 [sflag:s0], s1  }
0x7a: {  	s1 =	ssub.s32 @!p0 $0x0, s1;
	[sflag:s0] =	ssyncset.done @!p0 $0x0  }
0x7b: {  	[sflag:s0] =	ssyncadd.s32 @!p0 s1  }
0x7c: {  	[bflag:$0x3] =	sbarrier.arrive $0xFFFF  }
0x7d: {  	_ =	shalt  }

</sc_bundles>
